<compile_context>
chip_gen: v7x
topology: tpu7x:2x2x1
jax: 0.10.2.dev20260603
libtpu: 0.0.44.dev20260713+nightly
codegen_flags: <defaults>
</compile_context>

<pallas_src>
import functools

import jax
import jax.numpy as jnp
from jax import lax
from jax.experimental import pallas as pl
from jax.experimental.pallas import tpu as pltpu
from jax.experimental.pallas import tpu_sc as plsc

D_MODEL = 128
SUB = 128
NBUF = 4


def _gather_sc(n_total: int):
    info = plsc.get_sparse_core_info()
    nw = info.num_cores * info.num_subcores
    n_per_w = n_total // nw
    n_sub = n_per_w // SUB
    assert n_sub % NBUF == 0
    n_outer = n_sub // NBUF

    mesh = plsc.VectorSubcoreMesh(core_axis_name="c", subcore_axis_name="s")

    @functools.partial(
        pl.kernel,
        mesh=mesh,
        out_type=jax.ShapeDtypeStruct((n_total, D_MODEL), jnp.float32),
        scratch_types=[
            pltpu.VMEM((n_sub, SUB), jnp.int32),
            pltpu.VMEM((NBUF, SUB, D_MODEL), jnp.float32),
            pltpu.VMEM_SHARED((366, D_MODEL), jnp.float32),
        ] + [pltpu.SemaphoreType.DMA] * (2 * NBUF + 1),
    )
    def gather_kernel(idx_hbm, table_hbm, out_hbm, idx_v, rows, table_sh,
                      *sems):
        gsems = sems[:NBUF]
        ssems = sems[NBUF : 2 * NBUF]
        isem = sems[2 * NBUF]
        wid = lax.axis_index("s") * info.num_cores + lax.axis_index("c")
        base = wid * n_per_w

        idx_copy = pltpu.async_copy(idx_hbm.at[wid], idx_v, isem)

        @pl.when(lax.axis_index("s") == 0)
        def _():
            pltpu.sync_copy(table_hbm, table_sh)
        plsc.subcore_barrier()
        idx_copy.wait()

        def body(io, carry):
            for b in range(NBUF):
                i = io * NBUF + b

                @pl.when(io > 0)
                def _():
                    pltpu.make_async_copy(
                        rows.at[b], out_hbm.at[pl.ds(base, SUB)],
                        ssems[b]).wait()

                pltpu.async_copy(
                    table_sh.at[idx_v.at[i]], rows.at[b], gsems[b])
            for b in range(NBUF):
                i = io * NBUF + b
                pltpu.make_async_copy(
                    table_sh.at[idx_v.at[i]], rows.at[b], gsems[b]).wait()
                pltpu.async_copy(
                    rows.at[b], out_hbm.at[pl.ds(base + i * SUB, SUB)],
                    ssems[b])
            return carry

        lax.fori_loop(0, n_outer, body, 0)

        for b in range(NBUF):
            pltpu.make_async_copy(
                rows.at[b], out_hbm.at[pl.ds(base, SUB)], ssems[b]).wait()

    return gather_kernel


def kernel(positions, pe):
    b, t = positions.shape
    n_total = b * t
    info = plsc.get_sparse_core_info()
    nw = info.num_cores * info.num_subcores
    idx = positions.reshape(nw, (n_total // nw) // SUB, SUB).astype(jnp.int32)
    out = _gather_sc(n_total)(idx, pe)
    return out.reshape(b, t, D_MODEL)

# --- scband reference (transcript-rebuilt; emitter-appended) ---
"""Pipeline reference for scband-positional-encoding-31679678775479 (READ-ONLY COPY).

The authoritative reference and input builder live on the scoring server;
editing this copy changes nothing except your own understanding.
"""

import jax, jax.numpy as jnp
import numpy as np
import math

D_MODEL = 128
MAX_POSITION = 366
T_CONST = 1000.0

def _build_pe():
    position = jnp.arange(0, MAX_POSITION, dtype=jnp.float32)[:, None]
    div_term = jnp.exp(jnp.arange(0, D_MODEL, 2, dtype=jnp.float32) * (-math.log(T_CONST) / D_MODEL))
    pe = jnp.zeros((MAX_POSITION, D_MODEL), dtype=jnp.float32)
    pe = pe.at[:, 0::2].set(jnp.sin(position * div_term))
    pe = pe.at[:, 1::2].set(jnp.cos(position * div_term))
    return pe

def setup_inputs(seed: int = 0) -> dict:
    key = jax.random.key(seed)
    positions = jax.random.randint(key, (4096, 200), 0, MAX_POSITION, dtype=jnp.int64 if jax.config.jax_enable_x64 else jnp.int32)
    pe = _build_pe()
    return {"positions": positions, "pe": pe}

def reference(positions, pe):
    # Faithful translation of forward: return self.pe[positions] -> [B, T, D]
    return jnp.take(pe, positions, axis=0)

if __name__ == "__main__":
    import jax
    _d = setup_inputs()
    print(jax.jit(kernel)(*tuple(_d.values())))

</pallas_src>

<mosaic_0001>
#map = affine_map<(d0, d1) -> (0, 0, 0)>
#map1 = affine_map<(d0, d1) -> (0, 0)>
module attributes {stable_mosaic.version = 14 : i64} {
  func.func @gather_kernel(%arg0: i32, %arg1: i32, %arg2: memref<32x200x128xi32, #tpu.memory_space<hbm>>, %arg3: memref<366x128xf32, #tpu.memory_space<hbm>>, %arg4: memref<819200x128xf32, #tpu.memory_space<hbm>>, %arg5: memref<200x128xi32, #tpu.memory_space<vmem>>, %arg6: memref<4x128x128xf32, #tpu.memory_space<vmem>>, %arg7: memref<366x128xf32, #tpu.memory_space<vmem_shared>>, %arg8: memref<!tpu.dma_semaphore, #tpu.memory_space<semaphore_mem>>, %arg9: memref<!tpu.dma_semaphore, #tpu.memory_space<semaphore_mem>>, %arg10: memref<!tpu.dma_semaphore, #tpu.memory_space<semaphore_mem>>, %arg11: memref<!tpu.dma_semaphore, #tpu.memory_space<semaphore_mem>>, %arg12: memref<!tpu.dma_semaphore, #tpu.memory_space<semaphore_mem>>, %arg13: memref<!tpu.dma_semaphore, #tpu.memory_space<semaphore_mem>>, %arg14: memref<!tpu.dma_semaphore, #tpu.memory_space<semaphore_mem>>, %arg15: memref<!tpu.dma_semaphore, #tpu.memory_space<semaphore_mem>>, %arg16: memref<!tpu.dma_semaphore, #tpu.memory_space<semaphore_mem>>) attributes {dimension_semantics = [#tpu.dimension_semantics<core_parallel>, #tpu.dimension_semantics<subcore_parallel>], iteration_bounds = array<i64: 2, 16>, scalar_prefetch = 0 : i64, scratch_operands = 12 : i64, tpu.core_type = #tpu.core_type<sc_vector_subcore>, window_params = [{transform_indices = #map}, {transform_indices = #map1}, {transform_indices = #map1}]} {
    %mul3A = arith.constant 2 : i32
    %mul3A_0 = arith.muli %arg1, %mul3A : i32
    %add3A = arith.addi %mul3A_0, %arg0 : i32
    %mul3A_1 = arith.constant 25600 : i32
    %mul3A_2 = arith.muli %add3A, %mul3A_1 : i32
    %dma_start3A = arith.constant 0 : i32
    %dma_start3A_3 = arith.constant 0 : i32
    %dma_start3A_4 = tpu.memref_slice %arg2[%add3A, %dma_start3A, %dma_start3A_3] : memref<32x200x128xi32, #tpu.memory_space<hbm>> -> memref<1x200x128xi32, #tpu.memory_space<hbm>>
    %dma_start3A_5 = tpu.memref_squeeze %dma_start3A_4 : memref<1x200x128xi32, #tpu.memory_space<hbm>> -> memref<200x128xi32, #tpu.memory_space<hbm>>
    %dma_start3A_6 = arith.constant 0 : i32
    %dma_start3A_7 = arith.constant 0 : i32
    %dma_start3A_8 = tpu.memref_slice %arg2[%add3A, %dma_start3A_6, %dma_start3A_7] : memref<32x200x128xi32, #tpu.memory_space<hbm>> -> memref<1x200x128xi32, #tpu.memory_space<hbm>>
    %dma_start3A_9 = tpu.memref_squeeze %dma_start3A_8 : memref<1x200x128xi32, #tpu.memory_space<hbm>> -> memref<200x128xi32, #tpu.memory_space<hbm>>
    tpu.enqueue_dma source(%dma_start3A_9 : memref<200x128xi32, #tpu.memory_space<hbm>>) target(%arg5 : memref<200x128xi32, #tpu.memory_space<vmem>>) target_semaphore(%arg16 : memref<!tpu.dma_semaphore, #tpu.memory_space<semaphore_mem>>)
    %eq3A = arith.constant 0 : i32
    %eq3A_10 = arith.cmpi eq, %arg1, %eq3A : i32
    %convert_element_type3A = arith.extui %eq3A_10 : i1 to i32
    %cond3A = arith.constant 0 : i32
    %cond3A_11 = arith.cmpi ne, %convert_element_type3A, %cond3A : i32
    scf.if %cond3A_11 {
      "tpu.region"() ({
        %run_scoped3A = tpu.sem_alloc : memref<!tpu.dma_semaphore, #tpu.memory_space<semaphore_mem>>
        tpu.enqueue_dma source(%arg3 : memref<366x128xf32, #tpu.memory_space<hbm>>) target(%arg7 : memref<366x128xf32, #tpu.memory_space<vmem_shared>>) target_semaphore(%run_scoped3A : memref<!tpu.dma_semaphore, #tpu.memory_space<semaphore_mem>>)
        tpu.wait_dma2 semaphore(%run_scoped3A : memref<!tpu.dma_semaphore, #tpu.memory_space<semaphore_mem>>) src(%arg3 : memref<366x128xf32, #tpu.memory_space<hbm>>) dst(%arg7 : memref<366x128xf32, #tpu.memory_space<vmem_shared>>)
        tpu.yield
      }) : () -> ()
    } else {
    }
    %barrier3A = arith.constant 0 : index
    tpu.barrier barrier_id(%barrier3A)
    %dma_wait3A = arith.constant 0 : i32
    %dma_wait3A_12 = arith.constant 0 : i32
    %dma_wait3A_13 = tpu.memref_slice %arg2[%add3A, %dma_wait3A, %dma_wait3A_12] : memref<32x200x128xi32, #tpu.memory_space<hbm>> -> memref<1x200x128xi32, #tpu.memory_space<hbm>>
    %dma_wait3A_14 = tpu.memref_squeeze %dma_wait3A_13 : memref<1x200x128xi32, #tpu.memory_space<hbm>> -> memref<200x128xi32, #tpu.memory_space<hbm>>
    %dma_wait3A_15 = arith.constant 0 : i32
    %dma_wait3A_16 = arith.constant 0 : i32
    %dma_wait3A_17 = tpu.memref_slice %arg2[%add3A, %dma_wait3A_15, %dma_wait3A_16] : memref<32x200x128xi32, #tpu.memory_space<hbm>> -> memref<1x200x128xi32, #tpu.memory_space<hbm>>
    %dma_wait3A_18 = tpu.memref_squeeze %dma_wait3A_17 : memref<1x200x128xi32, #tpu.memory_space<hbm>> -> memref<200x128xi32, #tpu.memory_space<hbm>>
    tpu.wait_dma2 semaphore(%arg16 : memref<!tpu.dma_semaphore, #tpu.memory_space<semaphore_mem>>) src(%dma_wait3A_18 : memref<200x128xi32, #tpu.memory_space<hbm>>) dst(%arg5 : memref<200x128xi32, #tpu.memory_space<vmem>>)
    %scan3A = arith.constant 0 : i32
    %scan3A_19 = arith.constant 0 : i32
    %scan3A_20 = arith.constant 50 : i32
    %scan3A_21 = arith.addi %scan3A_19, %scan3A_20 : i32
    %scan3A_22 = arith.constant 1 : i32
    scf.for %scan3A_76 = %scan3A_19 to %scan3A_21 step %scan3A_22  : i32 {
      %mul3A_77 = arith.constant 4 : i32
      %mul3A_78 = arith.muli %scan3A_76, %mul3A_77 : i32
      %add3A_79 = arith.constant 0 : i32
      %add3A_80 = arith.addi %mul3A_78, %add3A_79 : i32
      %gt3A = arith.constant 0 : i32
      %gt3A_81 = arith.cmpi sgt, %scan3A_76, %gt3A : i32
      %convert_element_type3A_82 = arith.extui %gt3A_81 : i1 to i32
      %cond3A_83 = arith.constant 0 : i32
      %cond3A_84 = arith.cmpi ne, %convert_element_type3A_82, %cond3A_83 : i32
      scf.if %cond3A_84 {
        %dma_wait3A_280 = arith.constant 0 : i32
        %dma_wait3A_281 = arith.constant 0 : i32
        %dma_wait3A_282 = arith.constant 0 : i32
        %dma_wait3A_283 = tpu.memref_slice %arg6[%dma_wait3A_280, %dma_wait3A_281, %dma_wait3A_282] : memref<4x128x128xf32, #tpu.memory_space<vmem>> -> memref<1x128x128xf32, #tpu.memory_space<vmem>>
        %dma_wait3A_284 = tpu.memref_squeeze %dma_wait3A_283 : memref<1x128x128xf32, #tpu.memory_space<vmem>> -> memref<128x128xf32, #tpu.memory_space<vmem>>
        %dma_wait3A_285 = arith.constant 0 : i32
        %dma_wait3A_286 = tpu.memref_slice %arg4[%mul3A_2, %dma_wait3A_285] : memref<819200x128xf32, #tpu.memory_space<hbm>> -> memref<128x128xf32, #tpu.memory_space<hbm>>
        %dma_wait3A_287 = arith.constant 0 : i32
        %dma_wait3A_288 = tpu.memref_slice %arg4[%mul3A_2, %dma_wait3A_287] : memref<819200x128xf32, #tpu.memory_space<hbm>> -> memref<128x128xf32, #tpu.memory_space<hbm>>
        %dma_wait3A_289 = arith.constant 0 : i32
        %dma_wait3A_290 = arith.constant 0 : i32
        %dma_wait3A_291 = tpu.memref_slice %arg6[%dma_wait3A_280, %dma_wait3A_289, %dma_wait3A_290] : memref<4x128x128xf32, #tpu.memory_space<vmem>> -> memref<1x128x128xf32, #tpu.memory_space<vmem>>
        %dma_wait3A_292 = tpu.memref_squeeze %dma_wait3A_291 : memref<1x128x128xf32, #tpu.memory_space<vmem>> -> memref<128x128xf32, #tpu.memory_space<vmem>>
        tpu.wait_dma2 semaphore(%arg12 : memref<!tpu.dma_semaphore, #tpu.memory_space<semaphore_mem>>) src(%dma_wait3A_292 : memref<128x128xf32, #tpu.memory_space<vmem>>) dst(%dma_wait3A_288 : memref<128x128xf32, #tpu.memory_space<hbm>>)
      } else {
      }
      %dma_start3A_85 = arith.constant 0 : i32
      %dma_start3A_86 = arith.constant 0 : i32
      %dma_start3A_87 = arith.constant 0 : i32
      %dma_start3A_88 = tpu.memref_slice %arg6[%dma_start3A_85, %dma_start3A_86, %dma_start3A_87] : memref<4x128x128xf32, #tpu.memory_space<vmem>> -> memref<1x128x128xf32, #tpu.memory_space<vmem>>
      %dma_start3A_89 = tpu.memref_squeeze %dma_start3A_88 : memref<1x128x128xf32, #tpu.memory_space<vmem>> -> memref<128x128xf32, #tpu.memory_space<vmem>>
      %dma_start3A_90 = arith.constant 0 : i32
      %dma_start3A_91 = tpu.memref_slice %arg5[%add3A_80, %dma_start3A_90] : memref<200x128xi32, #tpu.memory_space<vmem>> -> memref<1x128xi32, #tpu.memory_space<vmem>>
      %dma_start3A_92 = tpu.memref_squeeze %dma_start3A_91 : memref<1x128xi32, #tpu.memory_space<vmem>> -> memref<128xi32, #tpu.memory_space<vmem>>
      %dma_start3A_93 = arith.constant 0 : i32
      %dma_start3A_94 = arith.constant 0 : i32
      %dma_start3A_95 = tpu.memref_slice %arg7[%dma_start3A_93, %dma_start3A_94] : memref<366x128xf32, #tpu.memory_space<vmem_shared>> -> memref<366x128xf32, #tpu.memory_space<vmem_shared>>
      tpu.enqueue_indirect_dma source(%dma_start3A_95 : memref<366x128xf32, #tpu.memory_space<vmem_shared>>) target(%dma_start3A_89 : memref<128x128xf32, #tpu.memory_space<vmem>>) offsets(%dma_start3A_92 : memref<128xi32, #tpu.memory_space<vmem>>) semaphore(%arg8 : memref<!tpu.dma_semaphore, #tpu.memory_space<semaphore_mem>>)
      %mul3A_96 = arith.constant 4 : i32
      %mul3A_97 = arith.muli %scan3A_76, %mul3A_96 : i32
      %add3A_98 = arith.constant 1 : i32
      %add3A_99 = arith.addi %mul3A_97, %add3A_98 : i32
      %gt3A_100 = arith.constant 0 : i32
      %gt3A_101 = arith.cmpi sgt, %scan3A_76, %gt3A_100 : i32
      %convert_element_type3A_102 = arith.extui %gt3A_101 : i1 to i32
      %cond3A_103 = arith.constant 0 : i32
      %cond3A_104 = arith.cmpi ne, %convert_element_type3A_102, %cond3A_103 : i32
      scf.if %cond3A_104 {
        %dma_wait3A_280 = arith.constant 1 : i32
        %dma_wait3A_281 = arith.constant 0 : i32
        %dma_wait3A_282 = arith.constant 0 : i32
        %dma_wait3A_283 = tpu.memref_slice %arg6[%dma_wait3A_280, %dma_wait3A_281, %dma_wait3A_282] : memref<4x128x128xf32, #tpu.memory_space<vmem>> -> memref<1x128x128xf32, #tpu.memory_space<vmem>>
        %dma_wait3A_284 = tpu.memref_squeeze %dma_wait3A_283 : memref<1x128x128xf32, #tpu.memory_space<vmem>> -> memref<128x128xf32, #tpu.memory_space<vmem>>
        %dma_wait3A_285 = arith.constant 0 : i32
        %dma_wait3A_286 = tpu.memref_slice %arg4[%mul3A_2, %dma_wait3A_285] : memref<819200x128xf32, #tpu.memory_space<hbm>> -> memref<128x128xf32, #tpu.memory_space<hbm>>
        %dma_wait3A_287 = arith.constant 0 : i32
        %dma_wait3A_288 = tpu.memref_slice %arg4[%mul3A_2, %dma_wait3A_287] : memref<819200x128xf32, #tpu.memory_space<hbm>> -> memref<128x128xf32, #tpu.memory_space<hbm>>
        %dma_wait3A_289 = arith.constant 0 : i32
        %dma_wait3A_290 = arith.constant 0 : i32
        %dma_wait3A_291 = tpu.memref_slice %arg6[%dma_wait3A_280, %dma_wait3A_289, %dma_wait3A_290] : memref<4x128x128xf32, #tpu.memory_space<vmem>> -> memref<1x128x128xf32, #tpu.memory_space<vmem>>
        %dma_wait3A_292 = tpu.memref_squeeze %dma_wait3A_291 : memref<1x128x128xf32, #tpu.memory_space<vmem>> -> memref<128x128xf32, #tpu.memory_space<vmem>>
        tpu.wait_dma2 semaphore(%arg13 : memref<!tpu.dma_semaphore, #tpu.memory_space<semaphore_mem>>) src(%dma_wait3A_292 : memref<128x128xf32, #tpu.memory_space<vmem>>) dst(%dma_wait3A_288 : memref<128x128xf32, #tpu.memory_space<hbm>>)
      } else {
      }
      %dma_start3A_105 = arith.constant 1 : i32
      %dma_start3A_106 = arith.constant 0 : i32
      %dma_start3A_107 = arith.constant 0 : i32
      %dma_start3A_108 = tpu.memref_slice %arg6[%dma_start3A_105, %dma_start3A_106, %dma_start3A_107] : memref<4x128x128xf32, #tpu.memory_space<vmem>> -> memref<1x128x128xf32, #tpu.memory_space<vmem>>
      %dma_start3A_109 = tpu.memref_squeeze %dma_start3A_108 : memref<1x128x128xf32, #tpu.memory_space<vmem>> -> memref<128x128xf32, #tpu.memory_space<vmem>>
      %dma_start3A_110 = arith.constant 0 : i32
      %dma_start3A_111 = tpu.memref_slice %arg5[%add3A_99, %dma_start3A_110] : memref<200x128xi32, #tpu.memory_space<vmem>> -> memref<1x128xi32, #tpu.memory_space<vmem>>
      %dma_start3A_112 = tpu.memref_squeeze %dma_start3A_111 : memref<1x128xi32, #tpu.memory_space<vmem>> -> memref<128xi32, #tpu.memory_space<vmem>>
      %dma_start3A_113 = arith.constant 0 : i32
      %dma_start3A_114 = arith.constant 0 : i32
      %dma_start3A_115 = tpu.memref_slice %arg7[%dma_start3A_113, %dma_start3A_114] : memref<366x128xf32, #tpu.memory_space<vmem_shared>> -> memref<366x128xf32, #tpu.memory_space<vmem_shared>>
      tpu.enqueue_indirect_dma source(%dma_start3A_115 : memref<366x128xf32, #tpu.memory_space<vmem_shared>>) target(%dma_start3A_109 : memref<128x128xf32, #tpu.memory_space<vmem>>) offsets(%dma_start3A_112 : memref<128xi32, #tpu.memory_space<vmem>>) semaphore(%arg9 : memref<!tpu.dma_semaphore, #tpu.memory_space<semaphore_mem>>)
      %mul3A_116 = arith.constant 4 : i32
      %mul3A_117 = arith.muli %scan3A_76, %mul3A_116 : i32
      %add3A_118 = arith.constant 2 : i32
      %add3A_119 = arith.addi %mul3A_117, %add3A_118 : i32
      %gt3A_120 = arith.constant 0 : i32
      %gt3A_121 = arith.cmpi sgt, %scan3A_76, %gt3A_120 : i32
      %convert_element_type3A_122 = arith.extui %gt3A_121 : i1 to i32
      %cond3A_123 = arith.constant 0 : i32
      %cond3A_124 = arith.cmpi ne, %convert_element_type3A_122, %cond3A_123 : i32
      scf.if %cond3A_124 {
        %dma_wait3A_280 = arith.constant 2 : i32
        %dma_wait3A_281 = arith.constant 0 : i32
        %dma_wait3A_282 = arith.constant 0 : i32
        %dma_wait3A_283 = tpu.memref_slice %arg6[%dma_wait3A_280, %dma_wait3A_281, %dma_wait3A_282] : memref<4x128x128xf32, #tpu.memory_space<vmem>> -> memref<1x128x128xf32, #tpu.memory_space<vmem>>
        %dma_wait3A_284 = tpu.memref_squeeze %dma_wait3A_283 : memref<1x128x128xf32, #tpu.memory_space<vmem>> -> memref<128x128xf32, #tpu.memory_space<vmem>>
        %dma_wait3A_285 = arith.constant 0 : i32
        %dma_wait3A_286 = tpu.memref_slice %arg4[%mul3A_2, %dma_wait3A_285] : memref<819200x128xf32, #tpu.memory_space<hbm>> -> memref<128x128xf32, #tpu.memory_space<hbm>>
        %dma_wait3A_287 = arith.constant 0 : i32
        %dma_wait3A_288 = tpu.memref_slice %arg4[%mul3A_2, %dma_wait3A_287] : memref<819200x128xf32, #tpu.memory_space<hbm>> -> memref<128x128xf32, #tpu.memory_space<hbm>>
        %dma_wait3A_289 = arith.constant 0 : i32
        %dma_wait3A_290 = arith.constant 0 : i32
        %dma_wait3A_291 = tpu.memref_slice %arg6[%dma_wait3A_280, %dma_wait3A_289, %dma_wait3A_290] : memref<4x128x128xf32, #tpu.memory_space<vmem>> -> memref<1x128x128xf32, #tpu.memory_space<vmem>>
        %dma_wait3A_292 = tpu.memref_squeeze %dma_wait3A_291 : memref<1x128x128xf32, #tpu.memory_space<vmem>> -> memref<128x128xf32, #tpu.memory_space<vmem>>
        tpu.wait_dma2 semaphore(%arg14 : memref<!tpu.dma_semaphore, #tpu.memory_space<semaphore_mem>>) src(%dma_wait3A_292 : memref<128x128xf32, #tpu.memory_space<vmem>>) dst(%dma_wait3A_288 : memref<128x128xf32, #tpu.memory_space<hbm>>)
      } else {
      }
      %dma_start3A_125 = arith.constant 2 : i32
      %dma_start3A_126 = arith.constant 0 : i32
      %dma_start3A_127 = arith.constant 0 : i32
      %dma_start3A_128 = tpu.memref_slice %arg6[%dma_start3A_125, %dma_start3A_126, %dma_start3A_127] : memref<4x128x128xf32, #tpu.memory_space<vmem>> -> memref<1x128x128xf32, #tpu.memory_space<vmem>>
      %dma_start3A_129 = tpu.memref_squeeze %dma_start3A_128 : memref<1x128x128xf32, #tpu.memory_space<vmem>> -> memref<128x128xf32, #tpu.memory_space<vmem>>
      %dma_start3A_130 = arith.constant 0 : i32
      %dma_start3A_131 = tpu.memref_slice %arg5[%add3A_119, %dma_start3A_130] : memref<200x128xi32, #tpu.memory_space<vmem>> -> memref<1x128xi32, #tpu.memory_space<vmem>>
      %dma_start3A_132 = tpu.memref_squeeze %dma_start3A_131 : memref<1x128xi32, #tpu.memory_space<vmem>> -> memref<128xi32, #tpu.memory_space<vmem>>
      %dma_start3A_133 = arith.constant 0 : i32
      %dma_start3A_134 = arith.constant 0 : i32
      %dma_start3A_135 = tpu.memref_slice %arg7[%dma_start3A_133, %dma_start3A_134] : memref<366x128xf32, #tpu.memory_space<vmem_shared>> -> memref<366x128xf32, #tpu.memory_space<vmem_shared>>
      tpu.enqueue_indirect_dma source(%dma_start3A_135 : memref<366x128xf32, #tpu.memory_space<vmem_shared>>) target(%dma_start3A_129 : memref<128x128xf32, #tpu.memory_space<vmem>>) offsets(%dma_start3A_132 : memref<128xi32, #tpu.memory_space<vmem>>) semaphore(%arg10 : memref<!tpu.dma_semaphore, #tpu.memory_space<semaphore_mem>>)
      %mul3A_136 = arith.constant 4 : i32
      %mul3A_137 = arith.muli %scan3A_76, %mul3A_136 : i32
      %add3A_138 = arith.constant 3 : i32
      %add3A_139 = arith.addi %mul3A_137, %add3A_138 : i32
      %gt3A_140 = arith.constant 0 : i32
      %gt3A_141 = arith.cmpi sgt, %scan3A_76, %gt3A_140 : i32
      %convert_element_type3A_142 = arith.extui %gt3A_141 : i1 to i32
      %cond3A_143 = arith.constant 0 : i32
      %cond3A_144 = arith.cmpi ne, %convert_element_type3A_142, %cond3A_143 : i32
      scf.if %cond3A_144 {
        %dma_wait3A_280 = arith.constant 3 : i32
        %dma_wait3A_281 = arith.constant 0 : i32
        %dma_wait3A_282 = arith.constant 0 : i32
        %dma_wait3A_283 = tpu.memref_slice %arg6[%dma_wait3A_280, %dma_wait3A_281, %dma_wait3A_282] : memref<4x128x128xf32, #tpu.memory_space<vmem>> -> memref<1x128x128xf32, #tpu.memory_space<vmem>>
        %dma_wait3A_284 = tpu.memref_squeeze %dma_wait3A_283 : memref<1x128x128xf32, #tpu.memory_space<vmem>> -> memref<128x128xf32, #tpu.memory_space<vmem>>
        %dma_wait3A_285 = arith.constant 0 : i32
        %dma_wait3A_286 = tpu.memref_slice %arg4[%mul3A_2, %dma_wait3A_285] : memref<819200x128xf32, #tpu.memory_space<hbm>> -> memref<128x128xf32, #tpu.memory_space<hbm>>
        %dma_wait3A_287 = arith.constant 0 : i32
        %dma_wait3A_288 = tpu.memref_slice %arg4[%mul3A_2, %dma_wait3A_287] : memref<819200x128xf32, #tpu.memory_space<hbm>> -> memref<128x128xf32, #tpu.memory_space<hbm>>
        %dma_wait3A_289 = arith.constant 0 : i32
        %dma_wait3A_290 = arith.constant 0 : i32
        %dma_wait3A_291 = tpu.memref_slice %arg6[%dma_wait3A_280, %dma_wait3A_289, %dma_wait3A_290] : memref<4x128x128xf32, #tpu.memory_space<vmem>> -> memref<1x128x128xf32, #tpu.memory_space<vmem>>
        %dma_wait3A_292 = tpu.memref_squeeze %dma_wait3A_291 : memref<1x128x128xf32, #tpu.memory_space<vmem>> -> memref<128x128xf32, #tpu.memory_space<vmem>>
        tpu.wait_dma2 semaphore(%arg15 : memref<!tpu.dma_semaphore, #tpu.memory_space<semaphore_mem>>) src(%dma_wait3A_292 : memref<128x128xf32, #tpu.memory_space<vmem>>) dst(%dma_wait3A_288 : memref<128x128xf32, #tpu.memory_space<hbm>>)
      } else {
      }
      %dma_start3A_145 = arith.constant 3 : i32
      %dma_start3A_146 = arith.constant 0 : i32
      %dma_start3A_147 = arith.constant 0 : i32
      %dma_start3A_148 = tpu.memref_slice %arg6[%dma_start3A_145, %dma_start3A_146, %dma_start3A_147] : memref<4x128x128xf32, #tpu.memory_space<vmem>> -> memref<1x128x128xf32, #tpu.memory_space<vmem>>
      %dma_start3A_149 = tpu.memref_squeeze %dma_start3A_148 : memref<1x128x128xf32, #tpu.memory_space<vmem>> -> memref<128x128xf32, #tpu.memory_space<vmem>>
      %dma_start3A_150 = arith.constant 0 : i32
      %dma_start3A_151 = tpu.memref_slice %arg5[%add3A_139, %dma_start3A_150] : memref<200x128xi32, #tpu.memory_space<vmem>> -> memref<1x128xi32, #tpu.memory_space<vmem>>
      %dma_start3A_152 = tpu.memref_squeeze %dma_start3A_151 : memref<1x128xi32, #tpu.memory_space<vmem>> -> memref<128xi32, #tpu.memory_space<vmem>>
      %dma_start3A_153 = arith.constant 0 : i32
      %dma_start3A_154 = arith.constant 0 : i32
      %dma_start3A_155 = tpu.memref_slice %arg7[%dma_start3A_153, %dma_start3A_154] : memref<366x128xf32, #tpu.memory_space<vmem_shared>> -> memref<366x128xf32, #tpu.memory_space<vmem_shared>>
      tpu.enqueue_indirect_dma source(%dma_start3A_155 : memref<366x128xf32, #tpu.memory_space<vmem_shared>>) target(%dma_start3A_149 : memref<128x128xf32, #tpu.memory_space<vmem>>) offsets(%dma_start3A_152 : memref<128xi32, #tpu.memory_space<vmem>>) semaphore(%arg11 : memref<!tpu.dma_semaphore, #tpu.memory_space<semaphore_mem>>)
      %mul3A_156 = arith.constant 4 : i32
      %mul3A_157 = arith.muli %scan3A_76, %mul3A_156 : i32
      %add3A_158 = arith.constant 0 : i32
      %add3A_159 = arith.addi %mul3A_157, %add3A_158 : i32
      %dma_wait3A_160 = arith.constant 0 : i32
      %dma_wait3A_161 = arith.constant 0 : i32
      %dma_wait3A_162 = arith.constant 0 : i32
      %dma_wait3A_163 = tpu.memref_slice %arg6[%dma_wait3A_160, %dma_wait3A_161, %dma_wait3A_162] : memref<4x128x128xf32, #tpu.memory_space<vmem>> -> memref<1x128x128xf32, #tpu.memory_space<vmem>>
      %dma_wait3A_164 = tpu.memref_squeeze %dma_wait3A_163 : memref<1x128x128xf32, #tpu.memory_space<vmem>> -> memref<128x128xf32, #tpu.memory_space<vmem>>
      %dma_wait3A_165 = arith.constant 0 : i32
      %dma_wait3A_166 = tpu.memref_slice %arg5[%add3A_159, %dma_wait3A_165] : memref<200x128xi32, #tpu.memory_space<vmem>> -> memref<1x128xi32, #tpu.memory_space<vmem>>
      %dma_wait3A_167 = tpu.memref_squeeze %dma_wait3A_166 : memref<1x128xi32, #tpu.memory_space<vmem>> -> memref<128xi32, #tpu.memory_space<vmem>>
      %dma_wait3A_168 = arith.constant 0 : i32
      %dma_wait3A_169 = arith.constant 0 : i32
      %dma_wait3A_170 = tpu.memref_slice %arg7[%dma_wait3A_168, %dma_wait3A_169] : memref<366x128xf32, #tpu.memory_space<vmem_shared>> -> memref<366x128xf32, #tpu.memory_space<vmem_shared>>
      tpu.wait_indirect_dma semaphore(%arg8 : memref<!tpu.dma_semaphore, #tpu.memory_space<semaphore_mem>>) src(%dma_wait3A_170 : memref<366x128xf32, #tpu.memory_space<vmem_shared>>) dst(%dma_wait3A_164 : memref<128x128xf32, #tpu.memory_space<vmem>>)
      %mul3A_171 = arith.constant 128 : i32
      %mul3A_172 = arith.muli %add3A_159, %mul3A_171 : i32
      %add3A_173 = arith.addi %mul3A_2, %mul3A_172 : i32
      %dma_start3A_174 = arith.constant 0 : i32
      %dma_start3A_175 = arith.constant 0 : i32
      %dma_start3A_176 = arith.constant 0 : i32
      %dma_start3A_177 = tpu.memref_slice %arg6[%dma_start3A_174, %dma_start3A_175, %dma_start3A_176] : memref<4x128x128xf32, #tpu.memory_space<vmem>> -> memref<1x128x128xf32, #tpu.memory_space<vmem>>
      %dma_start3A_178 = tpu.memref_squeeze %dma_start3A_177 : memref<1x128x128xf32, #tpu.memory_space<vmem>> -> memref<128x128xf32, #tpu.memory_space<vmem>>
      %dma_start3A_179 = arith.constant 0 : i32
      %dma_start3A_180 = tpu.memref_slice %arg4[%add3A_173, %dma_start3A_179] : memref<819200x128xf32, #tpu.memory_space<hbm>> -> memref<128x128xf32, #tpu.memory_space<hbm>>
      %dma_start3A_181 = arith.constant 0 : i32
      %dma_start3A_182 = tpu.memref_slice %arg4[%add3A_173, %dma_start3A_181] : memref<819200x128xf32, #tpu.memory_space<hbm>> -> memref<128x128xf32, #tpu.memory_space<hbm>>
      %dma_start3A_183 = arith.constant 0 : i32
      %dma_start3A_184 = arith.constant 0 : i32
      %dma_start3A_185 = tpu.memref_slice %arg6[%dma_start3A_174, %dma_start3A_183, %dma_start3A_184] : memref<4x128x128xf32, #tpu.memory_space<vmem>> -> memref<1x128x128xf32, #tpu.memory_space<vmem>>
      %dma_start3A_186 = tpu.memref_squeeze %dma_start3A_185 : memref<1x128x128xf32, #tpu.memory_space<vmem>> -> memref<128x128xf32, #tpu.memory_space<vmem>>
      tpu.enqueue_dma source(%dma_start3A_186 : memref<128x128xf32, #tpu.memory_space<vmem>>) target(%dma_start3A_182 : memref<128x128xf32, #tpu.memory_space<hbm>>) target_semaphore(%arg12 : memref<!tpu.dma_semaphore, #tpu.memory_space<semaphore_mem>>)
      %mul3A_187 = arith.constant 4 : i32
      %mul3A_188 = arith.muli %scan3A_76, %mul3A_187 : i32
      %add3A_189 = arith.constant 1 : i32
      %add3A_190 = arith.addi %mul3A_188, %add3A_189 : i32
      %dma_wait3A_191 = arith.constant 1 : i32
      %dma_wait3A_192 = arith.constant 0 : i32
      %dma_wait3A_193 = arith.constant 0 : i32
      %dma_wait3A_194 = tpu.memref_slice %arg6[%dma_wait3A_191, %dma_wait3A_192, %dma_wait3A_193] : memref<4x128x128xf32, #tpu.memory_space<vmem>> -> memref<1x128x128xf32, #tpu.memory_space<vmem>>
      %dma_wait3A_195 = tpu.memref_squeeze %dma_wait3A_194 : memref<1x128x128xf32, #tpu.memory_space<vmem>> -> memref<128x128xf32, #tpu.memory_space<vmem>>
      %dma_wait3A_196 = arith.constant 0 : i32
      %dma_wait3A_197 = tpu.memref_slice %arg5[%add3A_190, %dma_wait3A_196] : memref<200x128xi32, #tpu.memory_space<vmem>> -> memref<1x128xi32, #tpu.memory_space<vmem>>
      %dma_wait3A_198 = tpu.memref_squeeze %dma_wait3A_197 : memref<1x128xi32, #tpu.memory_space<vmem>> -> memref<128xi32, #tpu.memory_space<vmem>>
      %dma_wait3A_199 = arith.constant 0 : i32
      %dma_wait3A_200 = arith.constant 0 : i32
      %dma_wait3A_201 = tpu.memref_slice %arg7[%dma_wait3A_199, %dma_wait3A_200] : memref<366x128xf32, #tpu.memory_space<vmem_shared>> -> memref<366x128xf32, #tpu.memory_space<vmem_shared>>
      tpu.wait_indirect_dma semaphore(%arg9 : memref<!tpu.dma_semaphore, #tpu.memory_space<semaphore_mem>>) src(%dma_wait3A_201 : memref<366x128xf32, #tpu.memory_space<vmem_shared>>) dst(%dma_wait3A_195 : memref<128x128xf32, #tpu.memory_space<vmem>>)
      %mul3A_202 = arith.constant 128 : i32
      %mul3A_203 = arith.muli %add3A_190, %mul3A_202 : i32
      %add3A_204 = arith.addi %mul3A_2, %mul3A_203 : i32
      %dma_start3A_205 = arith.constant 1 : i32
      %dma_start3A_206 = arith.constant 0 : i32
      %dma_start3A_207 = arith.constant 0 : i32
      %dma_start3A_208 = tpu.memref_slice %arg6[%dma_start3A_205, %dma_start3A_206, %dma_start3A_207] : memref<4x128x128xf32, #tpu.memory_space<vmem>> -> memref<1x128x128xf32, #tpu.memory_space<vmem>>
      %dma_start3A_209 = tpu.memref_squeeze %dma_start3A_208 : memref<1x128x128xf32, #tpu.memory_space<vmem>> -> memref<128x128xf32, #tpu.memory_space<vmem>>
      %dma_start3A_210 = arith.constant 0 : i32
      %dma_start3A_211 = tpu.memref_slice %arg4[%add3A_204, %dma_start3A_210] : memref<819200x128xf32, #tpu.memory_space<hbm>> -> memref<128x128xf32, #tpu.memory_space<hbm>>
      %dma_start3A_212 = arith.constant 0 : i32
      %dma_start3A_213 = tpu.memref_slice %arg4[%add3A_204, %dma_start3A_212] : memref<819200x128xf32, #tpu.memory_space<hbm>> -> memref<128x128xf32, #tpu.memory_space<hbm>>
      %dma_start3A_214 = arith.constant 0 : i32
      %dma_start3A_215 = arith.constant 0 : i32
      %dma_start3A_216 = tpu.memref_slice %arg6[%dma_start3A_205, %dma_start3A_214, %dma_start3A_215] : memref<4x128x128xf32, #tpu.memory_space<vmem>> -> memref<1x128x128xf32, #tpu.memory_space<vmem>>
      %dma_start3A_217 = tpu.memref_squeeze %dma_start3A_216 : memref<1x128x128xf32, #tpu.memory_space<vmem>> -> memref<128x128xf32, #tpu.memory_space<vmem>>
      tpu.enqueue_dma source(%dma_start3A_217 : memref<128x128xf32, #tpu.memory_space<vmem>>) target(%dma_start3A_213 : memref<128x128xf32, #tpu.memory_space<hbm>>) target_semaphore(%arg13 : memref<!tpu.dma_semaphore, #tpu.memory_space<semaphore_mem>>)
      %mul3A_218 = arith.constant 4 : i32
      %mul3A_219 = arith.muli %scan3A_76, %mul3A_218 : i32
      %add3A_220 = arith.constant 2 : i32
      %add3A_221 = arith.addi %mul3A_219, %add3A_220 : i32
      %dma_wait3A_222 = arith.constant 2 : i32
      %dma_wait3A_223 = arith.constant 0 : i32
      %dma_wait3A_224 = arith.constant 0 : i32
      %dma_wait3A_225 = tpu.memref_slice %arg6[%dma_wait3A_222, %dma_wait3A_223, %dma_wait3A_224] : memref<4x128x128xf32, #tpu.memory_space<vmem>> -> memref<1x128x128xf32, #tpu.memory_space<vmem>>
      %dma_wait3A_226 = tpu.memref_squeeze %dma_wait3A_225 : memref<1x128x128xf32, #tpu.memory_space<vmem>> -> memref<128x128xf32, #tpu.memory_space<vmem>>
      %dma_wait3A_227 = arith.constant 0 : i32
      %dma_wait3A_228 = tpu.memref_slice %arg5[%add3A_221, %dma_wait3A_227] : memref<200x128xi32, #tpu.memory_space<vmem>> -> memref<1x128xi32, #tpu.memory_space<vmem>>
      %dma_wait3A_229 = tpu.memref_squeeze %dma_wait3A_228 : memref<1x128xi32, #tpu.memory_space<vmem>> -> memref<128xi32, #tpu.memory_space<vmem>>
      %dma_wait3A_230 = arith.constant 0 : i32
      %dma_wait3A_231 = arith.constant 0 : i32
      %dma_wait3A_232 = tpu.memref_slice %arg7[%dma_wait3A_230, %dma_wait3A_231] : memref<366x128xf32, #tpu.memory_space<vmem_shared>> -> memref<366x128xf32, #tpu.memory_space<vmem_shared>>
      tpu.wait_indirect_dma semaphore(%arg10 : memref<!tpu.dma_semaphore, #tpu.memory_space<semaphore_mem>>) src(%dma_wait3A_232 : memref<366x128xf32, #tpu.memory_space<vmem_shared>>) dst(%dma_wait3A_226 : memref<128x128xf32, #tpu.memory_space<vmem>>)
      %mul3A_233 = arith.constant 128 : i32
      %mul3A_234 = arith.muli %add3A_221, %mul3A_233 : i32
      %add3A_235 = arith.addi %mul3A_2, %mul3A_234 : i32
      %dma_start3A_236 = arith.constant 2 : i32
      %dma_start3A_237 = arith.constant 0 : i32
      %dma_start3A_238 = arith.constant 0 : i32
      %dma_start3A_239 = tpu.memref_slice %arg6[%dma_start3A_236, %dma_start3A_237, %dma_start3A_238] : memref<4x128x128xf32, #tpu.memory_space<vmem>> -> memref<1x128x128xf32, #tpu.memory_space<vmem>>
      %dma_start3A_240 = tpu.memref_squeeze %dma_start3A_239 : memref<1x128x128xf32, #tpu.memory_space<vmem>> -> memref<128x128xf32, #tpu.memory_space<vmem>>
      %dma_start3A_241 = arith.constant 0 : i32
      %dma_start3A_242 = tpu.memref_slice %arg4[%add3A_235, %dma_start3A_241] : memref<819200x128xf32, #tpu.memory_space<hbm>> -> memref<128x128xf32, #tpu.memory_space<hbm>>
      %dma_start3A_243 = arith.constant 0 : i32
      %dma_start3A_244 = tpu.memref_slice %arg4[%add3A_235, %dma_start3A_243] : memref<819200x128xf32, #tpu.memory_space<hbm>> -> memref<128x128xf32, #tpu.memory_space<hbm>>
      %dma_start3A_245 = arith.constant 0 : i32
      %dma_start3A_246 = arith.constant 0 : i32
      %dma_start3A_247 = tpu.memref_slice %arg6[%dma_start3A_236, %dma_start3A_245, %dma_start3A_246] : memref<4x128x128xf32, #tpu.memory_space<vmem>> -> memref<1x128x128xf32, #tpu.memory_space<vmem>>
      %dma_start3A_248 = tpu.memref_squeeze %dma_start3A_247 : memref<1x128x128xf32, #tpu.memory_space<vmem>> -> memref<128x128xf32, #tpu.memory_space<vmem>>
      tpu.enqueue_dma source(%dma_start3A_248 : memref<128x128xf32, #tpu.memory_space<vmem>>) target(%dma_start3A_244 : memref<128x128xf32, #tpu.memory_space<hbm>>) target_semaphore(%arg14 : memref<!tpu.dma_semaphore, #tpu.memory_space<semaphore_mem>>)
      %mul3A_249 = arith.constant 4 : i32
      %mul3A_250 = arith.muli %scan3A_76, %mul3A_249 : i32
      %add3A_251 = arith.constant 3 : i32
      %add3A_252 = arith.addi %mul3A_250, %add3A_251 : i32
      %dma_wait3A_253 = arith.constant 3 : i32
      %dma_wait3A_254 = arith.constant 0 : i32
      %dma_wait3A_255 = arith.constant 0 : i32
      %dma_wait3A_256 = tpu.memref_slice %arg6[%dma_wait3A_253, %dma_wait3A_254, %dma_wait3A_255] : memref<4x128x128xf32, #tpu.memory_space<vmem>> -> memref<1x128x128xf32, #tpu.memory_space<vmem>>
      %dma_wait3A_257 = tpu.memref_squeeze %dma_wait3A_256 : memref<1x128x128xf32, #tpu.memory_space<vmem>> -> memref<128x128xf32, #tpu.memory_space<vmem>>
      %dma_wait3A_258 = arith.constant 0 : i32
      %dma_wait3A_259 = tpu.memref_slice %arg5[%add3A_252, %dma_wait3A_258] : memref<200x128xi32, #tpu.memory_space<vmem>> -> memref<1x128xi32, #tpu.memory_space<vmem>>
      %dma_wait3A_260 = tpu.memref_squeeze %dma_wait3A_259 : memref<1x128xi32, #tpu.memory_space<vmem>> -> memref<128xi32, #tpu.memory_space<vmem>>
      %dma_wait3A_261 = arith.constant 0 : i32
      %dma_wait3A_262 = arith.constant 0 : i32
      %dma_wait3A_263 = tpu.memref_slice %arg7[%dma_wait3A_261, %dma_wait3A_262] : memref<366x128xf32, #tpu.memory_space<vmem_shared>> -> memref<366x128xf32, #tpu.memory_space<vmem_shared>>
      tpu.wait_indirect_dma semaphore(%arg11 : memref<!tpu.dma_semaphore, #tpu.memory_space<semaphore_mem>>) src(%dma_wait3A_263 : memref<366x128xf32, #tpu.memory_space<vmem_shared>>) dst(%dma_wait3A_257 : memref<128x128xf32, #tpu.memory_space<vmem>>)
      %mul3A_264 = arith.constant 128 : i32
      %mul3A_265 = arith.muli %add3A_252, %mul3A_264 : i32
      %add3A_266 = arith.addi %mul3A_2, %mul3A_265 : i32
      %dma_start3A_267 = arith.constant 3 : i32
      %dma_start3A_268 = arith.constant 0 : i32
      %dma_start3A_269 = arith.constant 0 : i32
      %dma_start3A_270 = tpu.memref_slice %arg6[%dma_start3A_267, %dma_start3A_268, %dma_start3A_269] : memref<4x128x128xf32, #tpu.memory_space<vmem>> -> memref<1x128x128xf32, #tpu.memory_space<vmem>>
      %dma_start3A_271 = tpu.memref_squeeze %dma_start3A_270 : memref<1x128x128xf32, #tpu.memory_space<vmem>> -> memref<128x128xf32, #tpu.memory_space<vmem>>
      %dma_start3A_272 = arith.constant 0 : i32
      %dma_start3A_273 = tpu.memref_slice %arg4[%add3A_266, %dma_start3A_272] : memref<819200x128xf32, #tpu.memory_space<hbm>> -> memref<128x128xf32, #tpu.memory_space<hbm>>
      %dma_start3A_274 = arith.constant 0 : i32
      %dma_start3A_275 = tpu.memref_slice %arg4[%add3A_266, %dma_start3A_274] : memref<819200x128xf32, #tpu.memory_space<hbm>> -> memref<128x128xf32, #tpu.memory_space<hbm>>
      %dma_start3A_276 = arith.constant 0 : i32
      %dma_start3A_277 = arith.constant 0 : i32
      %dma_start3A_278 = tpu.memref_slice %arg6[%dma_start3A_267, %dma_start3A_276, %dma_start3A_277] : memref<4x128x128xf32, #tpu.memory_space<vmem>> -> memref<1x128x128xf32, #tpu.memory_space<vmem>>
      %dma_start3A_279 = tpu.memref_squeeze %dma_start3A_278 : memref<1x128x128xf32, #tpu.memory_space<vmem>> -> memref<128x128xf32, #tpu.memory_space<vmem>>
      tpu.enqueue_dma source(%dma_start3A_279 : memref<128x128xf32, #tpu.memory_space<vmem>>) target(%dma_start3A_275 : memref<128x128xf32, #tpu.memory_space<hbm>>) target_semaphore(%arg15 : memref<!tpu.dma_semaphore, #tpu.memory_space<semaphore_mem>>)
    }
    %scan3A_23 = arith.constant 50 : i32
    %dma_wait3A_24 = arith.constant 0 : i32
    %dma_wait3A_25 = arith.constant 0 : i32
    %dma_wait3A_26 = arith.constant 0 : i32
    %dma_wait3A_27 = tpu.memref_slice %arg6[%dma_wait3A_24, %dma_wait3A_25, %dma_wait3A_26] : memref<4x128x128xf32, #tpu.memory_space<vmem>> -> memref<1x128x128xf32, #tpu.memory_space<vmem>>
    %dma_wait3A_28 = tpu.memref_squeeze %dma_wait3A_27 : memref<1x128x128xf32, #tpu.memory_space<vmem>> -> memref<128x128xf32, #tpu.memory_space<vmem>>
    %dma_wait3A_29 = arith.constant 0 : i32
    %dma_wait3A_30 = tpu.memref_slice %arg4[%mul3A_2, %dma_wait3A_29] : memref<819200x128xf32, #tpu.memory_space<hbm>> -> memref<128x128xf32, #tpu.memory_space<hbm>>
    %dma_wait3A_31 = arith.constant 0 : i32
    %dma_wait3A_32 = tpu.memref_slice %arg4[%mul3A_2, %dma_wait3A_31] : memref<819200x128xf32, #tpu.memory_space<hbm>> -> memref<128x128xf32, #tpu.memory_space<hbm>>
    %dma_wait3A_33 = arith.constant 0 : i32
    %dma_wait3A_34 = arith.constant 0 : i32
    %dma_wait3A_35 = tpu.memref_slice %arg6[%dma_wait3A_24, %dma_wait3A_33, %dma_wait3A_34] : memref<4x128x128xf32, #tpu.memory_space<vmem>> -> memref<1x128x128xf32, #tpu.memory_space<vmem>>
    %dma_wait3A_36 = tpu.memref_squeeze %dma_wait3A_35 : memref<1x128x128xf32, #tpu.memory_space<vmem>> -> memref<128x128xf32, #tpu.memory_space<vmem>>
    tpu.wait_dma2 semaphore(%arg12 : memref<!tpu.dma_semaphore, #tpu.memory_space<semaphore_mem>>) src(%dma_wait3A_36 : memref<128x128xf32, #tpu.memory_space<vmem>>) dst(%dma_wait3A_32 : memref<128x128xf32, #tpu.memory_space<hbm>>)
    %dma_wait3A_37 = arith.constant 1 : i32
    %dma_wait3A_38 = arith.constant 0 : i32
    %dma_wait3A_39 = arith.constant 0 : i32
    %dma_wait3A_40 = tpu.memref_slice %arg6[%dma_wait3A_37, %dma_wait3A_38, %dma_wait3A_39] : memref<4x128x128xf32, #tpu.memory_space<vmem>> -> memref<1x128x128xf32, #tpu.memory_space<vmem>>
    %dma_wait3A_41 = tpu.memref_squeeze %dma_wait3A_40 : memref<1x128x128xf32, #tpu.memory_space<vmem>> -> memref<128x128xf32, #tpu.memory_space<vmem>>
    %dma_wait3A_42 = arith.constant 0 : i32
    %dma_wait3A_43 = tpu.memref_slice %arg4[%mul3A_2, %dma_wait3A_42] : memref<819200x128xf32, #tpu.memory_space<hbm>> -> memref<128x128xf32, #tpu.memory_space<hbm>>
    %dma_wait3A_44 = arith.constant 0 : i32
    %dma_wait3A_45 = tpu.memref_slice %arg4[%mul3A_2, %dma_wait3A_44] : memref<819200x128xf32, #tpu.memory_space<hbm>> -> memref<128x128xf32, #tpu.memory_space<hbm>>
    %dma_wait3A_46 = arith.constant 0 : i32
    %dma_wait3A_47 = arith.constant 0 : i32
    %dma_wait3A_48 = tpu.memref_slice %arg6[%dma_wait3A_37, %dma_wait3A_46, %dma_wait3A_47] : memref<4x128x128xf32, #tpu.memory_space<vmem>> -> memref<1x128x128xf32, #tpu.memory_space<vmem>>
    %dma_wait3A_49 = tpu.memref_squeeze %dma_wait3A_48 : memref<1x128x128xf32, #tpu.memory_space<vmem>> -> memref<128x128xf32, #tpu.memory_space<vmem>>
    tpu.wait_dma2 semaphore(%arg13 : memref<!tpu.dma_semaphore, #tpu.memory_space<semaphore_mem>>) src(%dma_wait3A_49 : memref<128x128xf32, #tpu.memory_space<vmem>>) dst(%dma_wait3A_45 : memref<128x128xf32, #tpu.memory_space<hbm>>)
    %dma_wait3A_50 = arith.constant 2 : i32
    %dma_wait3A_51 = arith.constant 0 : i32
    %dma_wait3A_52 = arith.constant 0 : i32
    %dma_wait3A_53 = tpu.memref_slice %arg6[%dma_wait3A_50, %dma_wait3A_51, %dma_wait3A_52] : memref<4x128x128xf32, #tpu.memory_space<vmem>> -> memref<1x128x128xf32, #tpu.memory_space<vmem>>
    %dma_wait3A_54 = tpu.memref_squeeze %dma_wait3A_53 : memref<1x128x128xf32, #tpu.memory_space<vmem>> -> memref<128x128xf32, #tpu.memory_space<vmem>>
    %dma_wait3A_55 = arith.constant 0 : i32
    %dma_wait3A_56 = tpu.memref_slice %arg4[%mul3A_2, %dma_wait3A_55] : memref<819200x128xf32, #tpu.memory_space<hbm>> -> memref<128x128xf32, #tpu.memory_space<hbm>>
    %dma_wait3A_57 = arith.constant 0 : i32
    %dma_wait3A_58 = tpu.memref_slice %arg4[%mul3A_2, %dma_wait3A_57] : memref<819200x128xf32, #tpu.memory_space<hbm>> -> memref<128x128xf32, #tpu.memory_space<hbm>>
    %dma_wait3A_59 = arith.constant 0 : i32
    %dma_wait3A_60 = arith.constant 0 : i32
    %dma_wait3A_61 = tpu.memref_slice %arg6[%dma_wait3A_50, %dma_wait3A_59, %dma_wait3A_60] : memref<4x128x128xf32, #tpu.memory_space<vmem>> -> memref<1x128x128xf32, #tpu.memory_space<vmem>>
    %dma_wait3A_62 = tpu.memref_squeeze %dma_wait3A_61 : memref<1x128x128xf32, #tpu.memory_space<vmem>> -> memref<128x128xf32, #tpu.memory_space<vmem>>
    tpu.wait_dma2 semaphore(%arg14 : memref<!tpu.dma_semaphore, #tpu.memory_space<semaphore_mem>>) src(%dma_wait3A_62 : memref<128x128xf32, #tpu.memory_space<vmem>>) dst(%dma_wait3A_58 : memref<128x128xf32, #tpu.memory_space<hbm>>)
    %dma_wait3A_63 = arith.constant 3 : i32
    %dma_wait3A_64 = arith.constant 0 : i32
    %dma_wait3A_65 = arith.constant 0 : i32
    %dma_wait3A_66 = tpu.memref_slice %arg6[%dma_wait3A_63, %dma_wait3A_64, %dma_wait3A_65] : memref<4x128x128xf32, #tpu.memory_space<vmem>> -> memref<1x128x128xf32, #tpu.memory_space<vmem>>
    %dma_wait3A_67 = tpu.memref_squeeze %dma_wait3A_66 : memref<1x128x128xf32, #tpu.memory_space<vmem>> -> memref<128x128xf32, #tpu.memory_space<vmem>>
    %dma_wait3A_68 = arith.constant 0 : i32
    %dma_wait3A_69 = tpu.memref_slice %arg4[%mul3A_2, %dma_wait3A_68] : memref<819200x128xf32, #tpu.memory_space<hbm>> -> memref<128x128xf32, #tpu.memory_space<hbm>>
    %dma_wait3A_70 = arith.constant 0 : i32
    %dma_wait3A_71 = tpu.memref_slice %arg4[%mul3A_2, %dma_wait3A_70] : memref<819200x128xf32, #tpu.memory_space<hbm>> -> memref<128x128xf32, #tpu.memory_space<hbm>>
    %dma_wait3A_72 = arith.constant 0 : i32
    %dma_wait3A_73 = arith.constant 0 : i32
    %dma_wait3A_74 = tpu.memref_slice %arg6[%dma_wait3A_63, %dma_wait3A_72, %dma_wait3A_73] : memref<4x128x128xf32, #tpu.memory_space<vmem>> -> memref<1x128x128xf32, #tpu.memory_space<vmem>>
    %dma_wait3A_75 = tpu.memref_squeeze %dma_wait3A_74 : memref<1x128x128xf32, #tpu.memory_space<vmem>> -> memref<128x128xf32, #tpu.memory_space<vmem>>
    tpu.wait_dma2 semaphore(%arg15 : memref<!tpu.dma_semaphore, #tpu.memory_space<semaphore_mem>>) src(%dma_wait3A_75 : memref<128x128xf32, #tpu.memory_space<vmem>>) dst(%dma_wait3A_71 : memref<128x128xf32, #tpu.memory_space<hbm>>)
    return
  }
}

</mosaic_0001>

<sc_bundles>
// kernel: kernel.3.cloned.1.call-start
scs
__scs_entry_jumppad:
0x0: {  	(pc) =	sbr.rel $0x88, $3  }
0x1: {  	(tag) =	ssettag $0x0;
	lr =	simm.s32 $0x1  }
0x2: {  	[smem:$0x3F9F] =	sst lr;
	_ =	strace $0xD0000000  }
0x3: {  	_ = 	snop  }
0x4: {  	_ = 	snop  }
0x5: {  	_ = 	snop  }
0x6: {  	_ = 	snop  }
0x7: {  	_ = 	snop  }
__scs_overlays_trampoline_lowered:
0x8: {  	[smem:$0x3FAE] =	sst s0  }
0x9: {  	[smem:$0x3FAF] =	sst s1  }
0xa: {  	[smem:$0x3FB0] =	sst s2  }
0xb: {  	[smem:$0x3FB1] =	sst s3  }
0xc: {  	[smem:$0x3FB2] =	sst s4  }
0xd: {  	[smem:$0x3FB3] =	sst s5  }
0xe: {  	[smem:$0x3FB4] =	sst s6  }
0xf: {  	[smem:$0x3FB5] =	sst s7  }
0x10: {  	[smem:$0x3FB6] =	sst s8  }
0x11: {  	[smem:$0x3FB7] =	sst s9;
	s0 =	simm.s32 @!p0 $0x0  }
0x12: {  	s1 =	sld [smem:$0x3F9D];
	s0 =	simm.s32 @p0 $0x1  }
0x13: {  	[smem:$0x3FB8] =	sst s0;
	s0 =	simm.s32 @!p1 $0x0  }
0x14: {  	s2 =	sld [smem:$0x3F9C];
	s0 =	simm.s32 @p1 $0x1  }
0x15: {  	[smem:$0x3FB9] =	sst s0;
	s0 =	simm.s32 @!p2 $0x0  }
0x16: {  	s3 =	sld [smem:$0x3FDB];
	s0 =	simm.s32 @p2 $0x1  }
0x17: {  	s4 =	simm.s32 $0x1BF5;
	[smem:$0x3FBB] =	sst s0  }
0x18: {  	s0 =	sld [smem:$0x3F9E];
	_ =	swait.ge [sflag:s4], $0x0  }
0x19: {  	s7 =	sld [smem:$0x3F9F]  }
0x1a: {  	s8 =	sadd.s32 $0xFFFFE003, lr  }
0x1b: {  	s9 =	sadd.s32 $0xFFFFFEF7, lr;
	s5 =	simm.s32 $0xFFFFFFFF;
	p2 =	slt.u32 s8, $0xFFFFF086  }
0x1c: {  	p1 =	slt.u32 s9, $0xF7A;
	s5 =	simm.s32 @!p2 $0x0  }
0x1d: {  	s5 =	simm.s32 @p1 $0x1;
	p0 =	seq.s32 s7, s2  }
0x1e: {  	s7 =	smul.u32 @!p0 $0xF7A, s2;
	p2 =	seq.s32 @!p0 s5, $0x0  }
0x1f: {  	s9 =	smul.u32 $0xF7A, s1;
	s8 =	simm.s32 @!p0 $0x1BF5;
	p2 =	por !p2, p0  }
0x20: {  	[sflag:s8] =	ssyncset.s32 @!p0 $0xFFFFF086;
	s6 =	sadd.s32 @!p0 s3, s7;
	s7 =	simm.s32 @!p0 $0x108  }
0x21: {  	s3 =	sadd.s32 s3, s9;
	s6 =	sadd.s32 @!p0 $0x88, s6;
	s7 =	simm.s32 @p2 $0x1082  }
0x22: {  	[simem:s7], [sflag:s8] =	dma.local @!p0 [hbm:s6], $0xF7A  }
0x23: {  	s9 =	sor.u32 $0xD0000000, s2;
	s6 =	simm.s32 $0x108;
	_ =	swait.ge @!p0 [sflag:s8], $0x0  }
0x24: {  	s3 =	sadd.s32 $0x88, s3;
	s6 =	simm.s32 @!p1 $0x1082;
	[sflag:s4] =	ssyncset.s32 $0xFFFFF086  }
0x25: {  	[simem:s6], [sflag:s4] =	dma.local [hbm:s3], $0xF7A  }
0x26: {  	[smem:$0x3F9F] =	sst s1;
	(tag) =	ssettag s2;
	_ =	strace s9  }
0x27: {  	s1 =	sld [smem:$0x3FAF]  }
0x28: {  	s2 =	sld [smem:$0x3FB0]  }
0x29: {  	s4 =	sld [smem:$0x3FB2]  }
0x2a: {  	p0 =	seq.s32 s5, $0x0;
	s5 =	sld [smem:$0x3FB3]  }
0x2b: {  	s6 =	sld [smem:$0x3FB4]  }
0x2c: {  	s7 =	sld [smem:$0x3FB5]  }
0x2d: {  	s3 =	simm.s32 $0x108;
	s8 =	sld [smem:$0x3FB6]  }
0x2e: {  	s3 =	simm.s32 @!p0 $0x1082;
	s9 =	sld [smem:$0x3FB7]  }
0x2f: {  	lr =	sadd.s32 s0, s3;
	s0 =	sld [smem:$0x3FAE]  }
0x30: {  	s3 =	sld [smem:$0x3FB1]  }
0x31: {  	[smem:$0x3FBA] =	sst s10  }
0x32: {  	s10 =	sld [smem:$0x3FB8];
	_ =	sdelay $0x3  }
0x33: {  	p0 =	seq.s32 s10, $0x1;
	s10 =	sld [smem:$0x3FBA];
	_ =	sdelay $0x3  }
0x34: {  	[smem:$0x3FBA] =	sst s10  }
0x35: {  	s10 =	sld [smem:$0x3FB9];
	_ =	sdelay $0x3  }
0x36: {  	p1 =	seq.s32 s10, $0x1;
	s10 =	sld [smem:$0x3FBA];
	_ =	sdelay $0x3  }
0x37: {  	[smem:$0x3FBA] =	sst s10  }
0x38: {  	s10 =	sld [smem:$0x3FBB]  }
0x39: {  	_ = 	snop;
	(pc) =	sbr.ind lr, $3  }
0x3a: {  	_ = 	snop  }
0x3b: {  	_ = 	snop  }
0x3c: {  	p2 =	seq.s32 s10, $0x1;
	s10 =	sld [smem:$0x3FBA]  }
0x3d: {  	_ =	shalt  }
0x3e: {  	_ =	shalt  }
0x3f: {  	_ =	shalt  }
0x40: {  	_ =	shalt  }
0x41: {  	_ =	shalt  }
0x42: {  	_ =	shalt  }
0x43: {  	_ =	shalt  }
0x44: {  	_ =	shalt  }
0x45: {  	_ =	shalt  }
0x46: {  	_ =	shalt  }
0x47: {  	_ =	shalt  }
0x48: {  	_ =	shalt  }
0x49: {  	_ =	shalt  }
0x4a: {  	_ =	shalt  }
0x4b: {  	_ =	shalt  }
0x4c: {  	_ =	shalt  }
0x4d: {  	_ =	shalt  }
0x4e: {  	_ =	shalt  }
0x4f: {  	_ =	shalt  }
0x50: {  	_ =	shalt  }
0x51: {  	_ =	shalt  }
0x52: {  	_ =	shalt  }
0x53: {  	_ =	shalt  }
0x54: {  	_ =	shalt  }
0x55: {  	_ =	shalt  }
0x56: {  	_ =	shalt  }
0x57: {  	_ =	shalt  }
0x58: {  	_ =	shalt  }
0x59: {  	_ =	shalt  }
0x5a: {  	_ =	shalt  }
0x5b: {  	_ =	shalt  }
0x5c: {  	_ =	shalt  }
0x5d: {  	_ =	shalt  }
0x5e: {  	_ =	shalt  }
0x5f: {  	_ =	shalt  }
0x60: {  	_ =	shalt  }
0x61: {  	_ =	shalt  }
0x62: {  	_ =	shalt  }
0x63: {  	_ =	shalt  }
0x64: {  	_ =	shalt  }
0x65: {  	_ =	shalt  }
0x66: {  	_ =	shalt  }
0x67: {  	_ =	shalt  }
0x68: {  	_ =	shalt  }
0x69: {  	_ =	shalt  }
0x6a: {  	_ =	shalt  }
0x6b: {  	_ =	shalt  }
0x6c: {  	_ =	shalt  }
0x6d: {  	_ =	shalt  }
0x6e: {  	_ =	shalt  }
0x6f: {  	_ =	shalt  }
0x70: {  	_ =	shalt  }
0x71: {  	_ =	shalt  }
0x72: {  	_ =	shalt  }
0x73: {  	_ =	shalt  }
0x74: {  	_ =	shalt  }
0x75: {  	_ =	shalt  }
0x76: {  	_ =	shalt  }
0x77: {  	_ =	shalt  }
0x78: {  	_ =	shalt  }
0x79: {  	_ =	shalt  }
0x7a: {  	_ =	shalt  }
0x7b: {  	_ =	shalt  }
0x7c: {  	_ =	shalt  }
0x7d: {  	_ =	shalt  }
0x7e: {  	_ =	shalt  }
0x7f: {  	_ =	shalt  }
0x80: {  	_ =	shalt  }
0x81: {  	_ =	shalt  }
0x82: {  	_ =	shalt  }
0x83: {  	_ =	shalt  }
0x84: {  	_ =	shalt  }
0x85: {  	_ =	shalt  }
0x86: {  	_ =	shalt  }
0x87: {  	_ =	shalt  }
.Lfunc_end0:
.L_simem_size_0:
called_computation_lowered:
.L_overlay_start_0:
0x88: {  	s2 =	sld [smem:$0x3FD9]  }
0x89: {  	s3 =	sld [smem:$0x3FFE];
	_ =	sdelay $0x1  }
0x8a: {  	s1 =	srdreg.scid  }
0x8b: {  	s0 =	sand.u32 $0x1, s1  }
0x8c: {  	s17 =	sshll.u32 s0, $0xA;
	s2 =	sadd.s32 s3, s2  }
0x8d: {  	s2 =	sadd.s32 s2, s17  }
0x8e: {  	[smem:$0x3FC6] =	sst s2  }
0x8f: {  	_ = 	snop  }
0x90: {  	s2 =	sld [smem:$0x3FC8]  }
0x91: {  	s18 =	sld [smem:$0x3FD0];
	(tm) =	ssettm $0x1  }
0x92: {  	s4 =	sld [smem:$0x3FFB];
	_ =	sdelay $0x3  }
0x93: {  	_ =	strace s4  }
0x94: {  	s4 =	sld [smem:$0x3FFC];
	_ =	sdelay $0x3  }
0x95: {  	_ =	strace s4  }
0x96: {  	s4 =	sld [smem:$0x3FFD];
	_ =	sdelay $0x3  }
0x97: {  	_ =	strace s4  }
0x98: {  	_ =	strace $0x8FFFFFFF  }
0x99: {  	s19 =	sld [smem:$0x3FDB];
	_ =	sdelay $0x1  }
0x9a: {  	s5 =	simm.s32 $_scs_section_size  }
0x9b: {  	s6 =	simm.s32 $_size__tile_overlayer_lowered;
	s7 =	simm.s32 $_tile_overlayer_lowered  }
0x9c: {  	s22 =	simm.s32 $0x1BFF;
	s21 =	sshll.u32 s7, $0x1;
	s4 =	sadd.s32 s5, s19  }
0x9d: {  	s8 =	simm.s32 $0x0;
	s20 =	sshll.u32 s6, $0x1;
	s6 =	sadd.s32 s21, s4  }
0x9e: {  	[timem:s8], [sflag:s22] =	dma.local [hbm:s6], s20  }
0x9f: {  	_ =	swait.ge [sflag:s22], s20  }
0xa0: {  	s5 =	ssub.s32 $0x0, s20;
	[sflag:s22] =	ssyncset.done $0x0  }
0xa1: {  	[sflag:s22] =	ssyncadd.s32 s5;
	_ =	sdelay $0x1  }
0xa2: {  	s23 =	simm.s32 $0x1B8B  }
0xa3: {  	_ =	swait.ge [sflag:s23], $0x1  }
0xa4: {  	[sflag:s23] =	ssyncset.done $0x0  }
0xa5: {  	s25 =	simm.s32 $0x1B8E;
	s24 =	sld [smem:$0x3FFE];
	[sflag:s23] =	ssyncadd.s32 $0xFFFFFFFF  }
0xa6: {  	s26 =	simm.s32 $execute0_lowered;
	[smem:$0x3FD2] =	sst s25  }
0xa7: {  	s6 =	sshll.u32 s26, $0x1;
	_ =	strace $0x80000046;
	[dreg:$0x1] =	wrdreg $0xFFFFFFFF  }
0xa8: {  	s28 =	simm.s32 $_size_execute0_lowered;
	s4 =	sadd.s32 s4, s6;
	[dreg:$0x0] =	wrdreg $0x0  }
0xa9: {  	s6 =	sshll.u32 s28, $0x1;
	[dreg:$0x2] =	wrdreg s4  }
0xaa: {  	[dreg:$0x3] =	wrdreg s6  }
0xab: {  	[dreg:$0x4] =	wrdreg $0xC0  }
0xac: {  	_ =	task [dreg:s8], $0x5FFFF  }
0xad: {  	[dreg:$0x1] =	wrdreg $0xFFFFFFFF  }
0xae: {  	[dreg:$0x0] =	wrdreg $0x60  }
0xaf: {  	[dreg:$0x2] =	wrdreg s24  }
0xb0: {  	[dreg:$0x3] =	wrdreg s2  }
0xb1: {  	[dreg:$0x4] =	wrdreg s18  }
0xb2: {  	[dreg:$0x5] =	wrdreg $0x164000  }
0xb3: {  	[dreg:$0x6] =	wrdreg $0x9  }
0xb4: {  	_ =	task.clear_ibuf [dreg:s8], $0x7FFFF;
	_ =	strace $0x90000046  }
0xb5: {  	s29 =	simm.s32 $0x9;
	_ =	strace $0x80000048  }
0xb6: {  	_ =	swait.ge [sflag:s29], $0x1  }
0xb7: {  	[sflag:s29] =	ssyncadd.s32 $0xFFFFFFFF  }
0xb8: {  	_ =	strace $0x90000048  }
0xb9: {  	_ =	sfence  }
0xba: {  	s30 =	sld [smem:$0x0];
	_ =	sdelay $0x2  }
0xbb: {  	s31 =	sshll.u32 s1, $0xD;
	s1 =	sshrl.u32 s1, $0x2  }
0xbc: {  	s3 =	sand.u32 $0x4000, s31;
	s1 =	sadd.s32 s1, s30  }
0xbd: {  	s0 =	sor.u32 s3, s0;
	s1 =	sshll.u32 s1, $0x11  }
0xbe: {  	s0 =	sor.u32 s1, s0  }
0xbf: {  	s0 =	sadd.s32 $0x8F2B, s0  }
0xc0: {  	[sflag:s0] =	ssyncadd.remote.s32 $0x1  }
0xc1: {  	_ =	sfence.sel $0xFFFF  }
0xc2: {  	[dreg:$0x0] =	wrdreg $0xFFFFFFFF;
	(pc) =	sbr.abs _section_cstart, $3  }
0xc3: {  	[dreg:$0x1] =	wrdreg $0xFFFFFFFF  }
0xc4: {  	_ =	task.clear_ibuf [dreg:s8], $0x2FFFF;
	_ =	strace $0x9FFFFFFF  }
0xc5: {  	(tm) =	ssettm $0x7FFFFFFF  }
tec
execute0_lowered:
.L_overlay_start_1:
0x0: {  	(tag) =	ssettag $0x1  }
0x1: {  	s0 =	rddreg [dreg:$0x0]  }
0x2: {  	s1 =	rddreg [dreg:$0x2]  }
0x3: {  	s3 =	srdreg.scid;
	s12 =	stileid.u32  }
0x4: {  	s2 =	rddreg [dreg:$0x3];
	s14 =	simm.s32 $0x80;
	s15 =	simm.s32 $0x6400  }
0x5: {  	s16 =	simm.s32 $0xA400;
	s18 =	simm.s32 $0xE400;
	s19 =	simm.s32 $0x180  }
0x6: {  	s20 =	simm.s32 $0x12400;
	s28 =	simm.s32 $0x7;
	s22 =	smul.u32 $0x640000, s12  }
0x7: {  	s29 =	simm.s32 $0x8;
	s9 =	sand.u32 $0x1, s3;
	s26 =	smul.u32 $0xC8000, s12  }
0x8: {  	s30 =	simm.s32 $0x0;
	s4 =	sshll.u32 s12, $0x1;
	s11 =	smul.u32 $0x320000, s9  }
0x9: {  	s3 =	simm.s32 $0x0;
	s4 =	sor.u32 s9, s4;
	s13 =	smul.u32 $0x64000, s9  }
0xa: {  	p0 =	sne.s32 s12, $0x0;
	[smem:$0x7FF] =	sst s3;
	s5 =	smul.u32 $0x6400, s4  }
0xb: {  	s6 =	ssub.s32 $0x2, s9;
	s12 =	sshrl.u32 @!p0 s2, $0x3;
	s7 =	smul.u32 $0x320000, s4  }
0xc: {  	_ =	strace $0x80000047;
	s8 =	sshrl.u32 s6, $0x1;
	s10 =	smul.u32 $0x64000, s4  }
0xd: {  	s21 =	ssub.s32 s6, s8;
	s25 =	sadd.s32 s11, s22;
	s11 =	sadd.s32 s26, s1  }
0xe: {  	s22 =	simm.s32 $0x2;
	s26 =	simm.s32 $0x6;
	s5 =	sshrl.u32 s5, $0x3  }
0xf: {  	s23 =	sshrl.u32 s7, $0x3;
	s24 =	sadd.s32 s10, s1;
	s10 =	sor.u32 $0x10000, s25  }
0x10: {  	s11 =	sadd.s32 s13, s11;
	s13 =	simm.s32 $0x9;
	s25 =	simm.s32 $0x5  }
0x11: {  	s0 =	sadd.s32 s5, s0;
	s5 =	smax.u32 s21, $0x1;
	s6 =	sadd.s32 s1, s23  }
0x12: {  	s7 =	sadd.s32 $0x800, s24;
	s8 =	sadd.s32 $0x1000, s24;
	s9 =	sadd.s32 $0x1800, s24  }
0x13: {  	s31 =	sshrl.u32 s10, $0x3;
	s21 =	simm.s32 $0x1;
	s23 =	simm.s32 $0x3  }
0x14: {  	s24 =	simm.s32 $0x4;
	s4 =	sadd.s32 $0x400, s0;
	s10 =	sadd.s32 s31, s1  }
.LBB2_1:
0x15: {  	[tilespmem:s3], [sflag:$0x9] =	stream.linear.gather [hbm4b:s4+s3], $0x6400, $0x38;
	[tilespmem:$0x16F70] =	vst v63  }
0x16: {  	s0 =	simm.s32 @!p0 $0x1C0A;
	s1 =	rddreg [dreg:$0x1]  }
0x17: {  	[spmem:s12], [sflag:s0] =	dma.local @!p0 [hbm:s1], $0x16E0  }
0x18: {  	s0 =	simm.s32 @!p0 $0xA  }
0x19: {  	_ =	swait.ge @!p0 [sflag:s0], $0x16E0  }
0x1a: {  	[sflag:s0] =	ssyncset.done @!p0 $0x0  }
0x1b: {  	[sflag:s0] =	ssyncadd.s32 @!p0 $0xFFFFE920  }
0x1c: {  	[bflag:$0x0] =	sbarrier.arrive $0xFFFF  }
0x1d: {  	_ =	swait.ge [sflag:s13], $0x6400  }
0x1e: {  	[sflag:s13] =	ssyncset.done $0x0  }
0x1f: {  	[sflag:s13] =	ssyncadd.s32 $0xFFFF9C00  }
0x20: {  	[tilespmem:s15], [sflag:$0x1] =	stream.indirect.gather [spmem:s2], $0x80, s3, s14, $0xb8;
	[tilespmem:$0x16F70] =	vst v63  }
0x21: {  	_ = 	snop  }
0x22: {  	[tilespmem:s16], [sflag:$0x2] =	stream.indirect.gather [spmem:s2], $0x80, s14, s14, $0xb8;
	[tilespmem:$0x16F70] =	vst v63  }
0x23: {  	s17 =	simm.s32 $0x100  }
0x24: {  	[tilespmem:s18], [sflag:$0x3] =	stream.indirect.gather [spmem:s2], $0x80, s17, s14, $0xb8;
	[tilespmem:$0x16F70] =	vst v63  }
0x25: {  	_ = 	snop  }
0x26: {  	[tilespmem:s20], [sflag:$0x4] =	stream.indirect.gather [spmem:s2], $0x80, s19, s14, $0xb8;
	[tilespmem:$0x16F70] =	vst v63  }
0x27: {  	_ =	swait.ge [sflag:s21], $0x4000  }
0x28: {  	[sflag:s21] =	ssyncset.done $0x0  }
0x29: {  	[sflag:s21] =	ssyncadd.s32 $0xFFFFC000  }
0x2a: {  	[hbm4b:s6+s3] =	stream.linear.scatter [tilespmem:s15], [sflag:$0x5], $0x4000, $0x38;
	[tilespmem:$0x16F70] =	vst v63  }
0x2b: {  	_ =	swait.ge [sflag:s22], $0x4000  }
0x2c: {  	[sflag:s22] =	ssyncset.done $0x0  }
0x2d: {  	[sflag:s22] =	ssyncadd.s32 $0xFFFFC000  }
0x2e: {  	[hbm4b:s7+s3] =	stream.linear.scatter [tilespmem:s16], [sflag:$0x6], $0x4000, $0x38;
	[tilespmem:$0x16F70] =	vst v63  }
0x2f: {  	_ =	swait.ge [sflag:s23], $0x4000  }
0x30: {  	[sflag:s23] =	ssyncset.done $0x0  }
0x31: {  	[sflag:s23] =	ssyncadd.s32 $0xFFFFC000  }
0x32: {  	[hbm4b:s8+s3] =	stream.linear.scatter [tilespmem:s18], [sflag:$0x7], $0x4000, $0x38;
	[tilespmem:$0x16F70] =	vst v63  }
0x33: {  	_ =	swait.ge [sflag:s24], $0x4000  }
0x34: {  	[sflag:s24] =	ssyncset.done $0x0  }
0x35: {  	[sflag:s24] =	ssyncadd.s32 $0xFFFFC000  }
0x36: {  	[hbm4b:s9+s3] =	stream.linear.scatter [tilespmem:s20], [sflag:$0x8], $0x4000, $0x38;
	[tilespmem:$0x16F70] =	vst v63  }
0x37: {  	_ =	swait.ge [sflag:s25], $0x4000  }
0x38: {  	[sflag:s25] =	ssyncset.done $0x0  }
0x39: {  	s1 =	simm.s32 $0x200;
	[sflag:s25] =	ssyncadd.s32 $0xFFFFC000  }
0x3a: {  	[tilespmem:s15], [sflag:$0x1] =	stream.indirect.gather [spmem:s2], $0x80, s1, s14, $0xb8;
	[tilespmem:$0x16F70] =	vst v63  }
0x3b: {  	_ =	swait.ge [sflag:s26], $0x4000  }
0x3c: {  	[sflag:s26] =	ssyncset.done $0x0  }
0x3d: {  	s17 =	simm.s32 $0x280;
	[sflag:s26] =	ssyncadd.s32 $0xFFFFC000  }
0x3e: {  	[tilespmem:s16], [sflag:$0x2] =	stream.indirect.gather [spmem:s2], $0x80, s17, s14, $0xb8;
	[tilespmem:$0x16F70] =	vst v63  }
0x3f: {  	_ =	swait.ge [sflag:s28], $0x4000  }
0x40: {  	[sflag:s28] =	ssyncset.done $0x0  }
0x41: {  	s1 =	simm.s32 $0x300;
	[sflag:s28] =	ssyncadd.s32 $0xFFFFC000  }
0x42: {  	[tilespmem:s18], [sflag:$0x3] =	stream.indirect.gather [spmem:s2], $0x80, s1, s14, $0xb8;
	[tilespmem:$0x16F70] =	vst v63  }
0x43: {  	_ =	swait.ge [sflag:s29], $0x4000  }
0x44: {  	[sflag:s29] =	ssyncset.done $0x0  }
0x45: {  	s17 =	simm.s32 $0x380;
	[sflag:s29] =	ssyncadd.s32 $0xFFFFC000  }
0x46: {  	[tilespmem:s20], [sflag:$0x4] =	stream.indirect.gather [spmem:s2], $0x80, s17, s14, $0xb8;
	[tilespmem:$0x16F70] =	vst v63  }
0x47: {  	_ =	swait.ge [sflag:s21], $0x4000  }
0x48: {  	[sflag:s21] =	ssyncset.done $0x0  }
0x49: {  	s1 =	sadd.s32 $0x0, s10;
	[sflag:s21] =	ssyncadd.s32 $0xFFFFC000  }
0x4a: {  	[hbm4b:s1+s3] =	stream.linear.scatter [tilespmem:s15], [sflag:$0x5], $0x4000, $0x38;
	[tilespmem:$0x16F70] =	vst v63  }
0x4b: {  	_ =	swait.ge [sflag:s22], $0x4000  }
0x4c: {  	s0 =	sadd.s32 $0x0, s11;
	[sflag:s22] =	ssyncset.done $0x0  }
0x4d: {  	s17 =	sadd.s32 $0x2800, s0;
	[sflag:s22] =	ssyncadd.s32 $0xFFFFC000  }
0x4e: {  	[hbm4b:s17+s3] =	stream.linear.scatter [tilespmem:s16], [sflag:$0x6], $0x4000, $0x38;
	[tilespmem:$0x16F70] =	vst v63  }
0x4f: {  	_ =	swait.ge [sflag:s23], $0x4000  }
0x50: {  	[sflag:s23] =	ssyncset.done $0x0  }
0x51: {  	s17 =	sadd.s32 $0x3000, s0;
	[sflag:s23] =	ssyncadd.s32 $0xFFFFC000  }
0x52: {  	[hbm4b:s17+s3] =	stream.linear.scatter [tilespmem:s18], [sflag:$0x7], $0x4000, $0x38;
	[tilespmem:$0x16F70] =	vst v63  }
0x53: {  	_ =	swait.ge [sflag:s24], $0x4000  }
0x54: {  	s31 =	simm.s32 $0x2000;
	[sflag:s24] =	ssyncset.done $0x0  }
0x55: {  	s1 =	simm.s32 $0x400;
	s0 =	sadd.s32 $0x3800, s0;
	[sflag:s24] =	ssyncadd.s32 $0xFFFFC000  }
.LBB2_2:
0x56: {  	[hbm4b:s0+s3] =	stream.linear.scatter [tilespmem:s20], [sflag:$0x8], $0x4000, $0x38;
	[tilespmem:$0x16F70] =	vst v63  }
0x57: {  	s0 =	smov.u32 s31  }
0x58: {  	p1 =	sne.s32 s31, $0x60000;
	s31 =	sadd.s32 $0x2000, s31;
	_ =	swait.ge [sflag:s25], $0x4000  }
0x59: {  	[sflag:s25] =	ssyncset.done $0x0  }
0x5a: {  	[sflag:s25] =	ssyncadd.s32 $0xFFFFC000  }
0x5b: {  	[tilespmem:s15], [sflag:$0x1] =	stream.indirect.gather [spmem:s2], $0x80, s1, s14, $0xb8;
	[tilespmem:$0x16F70] =	vst v63  }
0x5c: {  	_ =	swait.ge [sflag:s26], $0x4000  }
0x5d: {  	[sflag:s26] =	ssyncset.done $0x0  }
0x5e: {  	s17 =	sadd.s32 $0x80, s1;
	[sflag:s26] =	ssyncadd.s32 $0xFFFFC000  }
0x5f: {  	[tilespmem:s16], [sflag:$0x2] =	stream.indirect.gather [spmem:s2], $0x80, s17, s14, $0xb8;
	[tilespmem:$0x16F70] =	vst v63  }
0x60: {  	_ =	swait.ge [sflag:s28], $0x4000  }
0x61: {  	[sflag:s28] =	ssyncset.done $0x0  }
0x62: {  	s17 =	sadd.s32 $0x100, s1;
	[sflag:s28] =	ssyncadd.s32 $0xFFFFC000  }
0x63: {  	[tilespmem:s18], [sflag:$0x3] =	stream.indirect.gather [spmem:s2], $0x80, s17, s14, $0xb8;
	[tilespmem:$0x16F70] =	vst v63  }
0x64: {  	_ =	swait.ge [sflag:s29], $0x4000  }
0x65: {  	[sflag:s29] =	ssyncset.done $0x0  }
0x66: {  	s17 =	sadd.s32 $0x180, s1;
	[sflag:s29] =	ssyncadd.s32 $0xFFFFC000  }
0x67: {  	[tilespmem:s20], [sflag:$0x4] =	stream.indirect.gather [spmem:s2], $0x80, s17, s14, $0xb8;
	[tilespmem:$0x16F70] =	vst v63  }
0x68: {  	_ =	swait.ge [sflag:s21], $0x4000  }
0x69: {  	[sflag:s21] =	ssyncset.done $0x0  }
0x6a: {  	s17 =	sadd.s32 s0, s10;
	[sflag:s21] =	ssyncadd.s32 $0xFFFFC000  }
0x6b: {  	[hbm4b:s17+s3] =	stream.linear.scatter [tilespmem:s15], [sflag:$0x5], $0x4000, $0x38;
	[tilespmem:$0x16F70] =	vst v63  }
0x6c: {  	_ =	swait.ge [sflag:s22], $0x4000  }
0x6d: {  	s0 =	sadd.s32 s0, s11;
	[sflag:s22] =	ssyncset.done $0x0  }
0x6e: {  	s17 =	sadd.s32 $0x2800, s0;
	[sflag:s22] =	ssyncadd.s32 $0xFFFFC000  }
0x6f: {  	[hbm4b:s17+s3] =	stream.linear.scatter [tilespmem:s16], [sflag:$0x6], $0x4000, $0x38;
	[tilespmem:$0x16F70] =	vst v63  }
0x70: {  	_ =	swait.ge [sflag:s23], $0x4000  }
0x71: {  	[sflag:s23] =	ssyncset.done $0x0  }
.Ltmp0:
0x72: {  	s17 =	sadd.s32 $0x3000, s0;
	[sflag:s23] =	ssyncadd.s32 $0xFFFFC000;
	(pc) =	sbr.rel @p1 .LBB2_2-.Ltmp0, $4  }
0x73: {  	[hbm4b:s17+s3] =	stream.linear.scatter [tilespmem:s18], [sflag:$0x7], $0x4000, $0x38;
	[tilespmem:$0x16F70] =	vst v63  }
0x74: {  	_ =	swait.ge [sflag:s24], $0x4000  }
0x75: {  	[sflag:s24] =	ssyncset.done $0x0  }
0x76: {  	s1 =	sadd.s32 $0x200, s1;
	s0 =	sadd.s32 $0x3800, s0;
	[sflag:s24] =	ssyncadd.s32 $0xFFFFC000  }
0x77: {  	[hbm4b:s0+s3] =	stream.linear.scatter [tilespmem:s20], [sflag:$0x8], $0x4000, $0x38;
	[tilespmem:$0x16F70] =	vst v63  }
0x78: {  	_ =	swait.ge [sflag:s25], $0x4000  }
0x79: {  	[sflag:s25] =	ssyncset.done $0x0  }
0x7a: {  	[sflag:s25] =	ssyncadd.s32 $0xFFFFC000  }
0x7b: {  	_ =	swait.ge [sflag:s26], $0x4000  }
0x7c: {  	[sflag:s26] =	ssyncset.done $0x0  }
0x7d: {  	s30 =	sadd.s32 $0x1, s30;
	[sflag:s26] =	ssyncadd.s32 $0xFFFFC000  }
0x7e: {  	p1 =	sne.s32 s30, s5;
	_ =	swait.ge [sflag:s28], $0x4000  }
.Ltmp1:
0x7f: {  	[sflag:s28] =	ssyncset.done $0x0;
	(pc) =	sbr.rel @p1 .LBB2_1-.Ltmp1, $4  }
0x80: {  	[sflag:s28] =	ssyncadd.s32 $0xFFFFC000  }
0x81: {  	_ =	swait.ge [sflag:s29], $0x4000  }
0x82: {  	[sflag:s29] =	ssyncset.done $0x0  }
0x83: {  	[sflag:s29] =	ssyncadd.s32 $0xFFFFC000  }
0x84: {  	_ =	sfence.sel $0x180000  }
0x85: {  	[bflag:$0x0] =	sbarrier.arrive $0xFFFF  }
0x86: {  	_ =	strace $0x90000047  }
0x87: {  	[bflag:$0x2] =	sbarrier.arrive $0xFFFF  }
0x88: {  	s0 =	rddreg [dreg:$0x4]  }
0x89: {  	s0 =	sadd.s32 @!p0 $0x100000, s0  }
0x8a: {  	[sflag:s0] =	ssyncadd.tile.s32 @!p0 $0x1;
	_ =	shalt  }
.Lfunc_end2:
_tile_overlayer_lowered:
.L_overlay_start_2:
0x8b: {  	(tag) =	ssettag $0x2  }
0x8c: {  	s0 =	rddreg [dreg:$0x0];
	s2 =	stileid.u32  }
0x8d: {  	s1 =	rddreg [dreg:$0x1];
	p0 =	sne.s32 s2, $0x0  }
0x8e: {  	s3 =	rddreg [dreg:$0x2];
	[bflag:$0x3] =	sbarrier.arrive $0xFFFF;
	s2 =	simm.s32 @!p0 $0x1C0A  }
0x8f: {  	[timem:s3], [sflag:s2] =	dma.local @!p0 [hbm:s0], s1  }
0x90: {  	s0 =	simm.s32 @!p0 $0xA  }
0x91: {  	_ =	swait.ge @!p0 [sflag:s0], s1  }
0x92: {  	s1 =	ssub.s32 @!p0 $0x0, s1;
	[sflag:s0] =	ssyncset.done @!p0 $0x0  }
0x93: {  	[sflag:s0] =	ssyncadd.s32 @!p0 s1  }
0x94: {  	[bflag:$0x3] =	sbarrier.arrive $0xFFFF  }
0x95: {  	_ =	shalt  }

</sc_bundles>
